<compile_context>
chip_gen: v7x
topology: tpu7x:2x2x1
jax: 0.10.2.dev20260603
libtpu: 0.0.44.dev20260713+nightly
codegen_flags: <defaults>
</compile_context>

<pallas_src>
import functools

import jax
import jax.numpy as jnp
from jax import lax
from jax.experimental import pallas as pl
from jax.experimental.pallas import tpu as pltpu
from jax.experimental.pallas import tpu_sc as plsc

B = 16384
F = 26
NC = 2
NS = 16
NW = NC * NS
BPW = B // NW
IPW = BPW * F
L = 16


def _body(x_hbm, table_hbm, bias_hbm, out_hbm, idx_v, vals_v, out_v, bias_v,
          sem):
    wid = lax.axis_index("s") * NC + lax.axis_index("c")
    base = wid * IPW
    pltpu.sync_copy(x_hbm.at[pl.ds(base, IPW)], idx_v)
    pltpu.sync_copy(bias_hbm, bias_v)
    bias_vec = bias_v[...]

    pltpu.async_copy(table_hbm.at[idx_v], vals_v, sem).wait()

    def block(j, _):
        off = j * L
        acc = bias_vec
        for f in range(F):
            acc = acc + vals_v[pl.ds(f * BPW + off, L)]
        out_v[pl.ds(off, L)] = 1.0 / (1.0 + jnp.exp(-acc))
        return 0

    lax.fori_loop(0, BPW // L, block, 0)

    pltpu.sync_copy(out_v, out_hbm.at[pl.ds(wid * BPW, BPW)])


@functools.partial(jax.jit, static_argnames=())
def kernel(x, emb_table, bias):
    x_flat = x.reshape(NW, BPW, F).transpose(0, 2, 1).reshape(-1)
    table_flat = jnp.pad(emb_table, ((0, 448), (0, 0))).reshape(-1)
    bias16 = jnp.broadcast_to(bias, (L,))
    mesh = plsc.VectorSubcoreMesh(core_axis_name="c", subcore_axis_name="s")
    out = pl.kernel(
        _body,
        mesh=mesh,
        out_type=jax.ShapeDtypeStruct((B,), jnp.float32),
        scratch_types=[
            pltpu.VMEM((IPW,), jnp.int32),
            pltpu.VMEM((IPW,), jnp.float32),
            pltpu.VMEM((BPW,), jnp.float32),
            pltpu.VMEM((L,), jnp.float32),
            pltpu.SemaphoreType.DMA,
        ],
    )(x_flat, table_flat, bias16)
    return out.reshape(B, 1)

# --- scband reference (transcript-rebuilt; emitter-appended) ---
"""Pipeline reference for scband-logistic-regression-79250736546627 (READ-ONLY COPY).

The authoritative reference and input builder live on the scoring server;
editing this copy changes nothing except your own understanding.
"""

import jax, jax.numpy as jnp
import numpy as np

FEATURE_NUMS = 1000000
EMBED_DIM = 1
BATCH = 16384
N_FIELDS = 26


def setup_inputs(seed: int = 0) -> dict:
    key = jax.random.key(seed)
    k1, k2 = jax.random.split(key)
    x = jax.random.randint(k1, (BATCH, N_FIELDS), 0, FEATURE_NUMS, dtype=jnp.int64 if jax.config.jax_enable_x64 else jnp.int32)
    emb_table = jax.random.normal(k2, (FEATURE_NUMS, EMBED_DIM), dtype=jnp.float32) * 0.01
    bias = jnp.zeros((1,), dtype=jnp.float32)
    return {"x": x, "emb_table": emb_table, "bias": bias}


def reference(x, emb_table, bias):
    # FeatureEmbedding lookup: [B, F] -> [B, F, 1]
    embedded = jnp.take(emb_table, x, axis=0)
    # sum over field dim -> [B, 1], add bias, sigmoid
    output = jnp.sum(embedded, axis=1) + bias
    return jax.nn.sigmoid(output)

if __name__ == "__main__":
    import jax
    _d = setup_inputs()
    print(jax.jit(kernel)(*tuple(_d.values())))

</pallas_src>

<mosaic_0001>
#map = affine_map<(d0, d1) -> (0)>
module attributes {stable_mosaic.version = 14 : i64} {
  func.func @_body(%arg0: i32, %arg1: i32, %arg2: memref<425984xi32, #tpu.memory_space<hbm>>, %arg3: memref<1000448xf32, #tpu.memory_space<hbm>>, %arg4: memref<16xf32, #tpu.memory_space<hbm>>, %arg5: memref<16384xf32, #tpu.memory_space<hbm>>, %arg6: memref<13312xi32, #tpu.memory_space<vmem>>, %arg7: memref<13312xf32, #tpu.memory_space<vmem>>, %arg8: memref<512xf32, #tpu.memory_space<vmem>>, %arg9: memref<16xf32, #tpu.memory_space<vmem>>, %arg10: memref<!tpu.dma_semaphore, #tpu.memory_space<semaphore_mem>>) attributes {dimension_semantics = [#tpu.dimension_semantics<core_parallel>, #tpu.dimension_semantics<subcore_parallel>], iteration_bounds = array<i64: 2, 16>, scalar_prefetch = 0 : i64, scratch_operands = 5 : i64, tpu.core_type = #tpu.core_type<sc_vector_subcore>, window_params = [{transform_indices = #map}, {transform_indices = #map}, {transform_indices = #map}, {transform_indices = #map}]} {
    %mul3A = arith.constant 2 : i32
    %mul3A_0 = arith.muli %arg1, %mul3A : i32
    %add3A = arith.addi %mul3A_0, %arg0 : i32
    %mul3A_1 = arith.constant 13312 : i32
    %mul3A_2 = arith.muli %add3A, %mul3A_1 : i32
    "tpu.region"() ({
      %run_scoped3A = tpu.sem_alloc : memref<!tpu.dma_semaphore, #tpu.memory_space<semaphore_mem>>
      %dma_start3A_15 = tpu.memref_slice %arg2[%mul3A_2] : memref<425984xi32, #tpu.memory_space<hbm>> -> memref<13312xi32, #tpu.memory_space<hbm>>
      %dma_start3A_16 = tpu.memref_slice %arg2[%mul3A_2] : memref<425984xi32, #tpu.memory_space<hbm>> -> memref<13312xi32, #tpu.memory_space<hbm>>
      tpu.enqueue_dma source(%dma_start3A_16 : memref<13312xi32, #tpu.memory_space<hbm>>) target(%arg6 : memref<13312xi32, #tpu.memory_space<vmem>>) target_semaphore(%run_scoped3A : memref<!tpu.dma_semaphore, #tpu.memory_space<semaphore_mem>>)
      %dma_wait3A_17 = tpu.memref_slice %arg2[%mul3A_2] : memref<425984xi32, #tpu.memory_space<hbm>> -> memref<13312xi32, #tpu.memory_space<hbm>>
      %dma_wait3A_18 = tpu.memref_slice %arg2[%mul3A_2] : memref<425984xi32, #tpu.memory_space<hbm>> -> memref<13312xi32, #tpu.memory_space<hbm>>
      tpu.wait_dma2 semaphore(%run_scoped3A : memref<!tpu.dma_semaphore, #tpu.memory_space<semaphore_mem>>) src(%dma_wait3A_18 : memref<13312xi32, #tpu.memory_space<hbm>>) dst(%arg6 : memref<13312xi32, #tpu.memory_space<vmem>>)
      tpu.yield
    }) : () -> ()
    "tpu.region"() ({
      %run_scoped3A = tpu.sem_alloc : memref<!tpu.dma_semaphore, #tpu.memory_space<semaphore_mem>>
      tpu.enqueue_dma source(%arg4 : memref<16xf32, #tpu.memory_space<hbm>>) target(%arg9 : memref<16xf32, #tpu.memory_space<vmem>>) target_semaphore(%run_scoped3A : memref<!tpu.dma_semaphore, #tpu.memory_space<semaphore_mem>>)
      tpu.wait_dma2 semaphore(%run_scoped3A : memref<!tpu.dma_semaphore, #tpu.memory_space<semaphore_mem>>) src(%arg4 : memref<16xf32, #tpu.memory_space<hbm>>) dst(%arg9 : memref<16xf32, #tpu.memory_space<vmem>>)
      tpu.yield
    }) : () -> ()
    %get3A = arith.constant 0 : index
    %get3A_3 = tpu.vector_load %arg9[%get3A] {strides = array<i32>} : memref<16xf32, #tpu.memory_space<vmem>>, vector<16xf32>,
    %get3A_4 = vector.shape_cast %get3A_3 : vector<16xf32> to vector<16xf32>
    %dma_start3A = arith.constant 0 : i32
    %dma_start3A_5 = tpu.memref_slice %arg3[%dma_start3A] : memref<1000448xf32, #tpu.memory_space<hbm>> -> memref<1000448xf32, #tpu.memory_space<hbm>>
    tpu.enqueue_indirect_dma source(%dma_start3A_5 : memref<1000448xf32, #tpu.memory_space<hbm>>) target(%arg7 : memref<13312xf32, #tpu.memory_space<vmem>>) offsets(%arg6 : memref<13312xi32, #tpu.memory_space<vmem>>) semaphore(%arg10 : memref<!tpu.dma_semaphore, #tpu.memory_space<semaphore_mem>>)
    %dma_wait3A = arith.constant 0 : i32
    %dma_wait3A_6 = tpu.memref_slice %arg3[%dma_wait3A] : memref<1000448xf32, #tpu.memory_space<hbm>> -> memref<1000448xf32, #tpu.memory_space<hbm>>
    tpu.wait_indirect_dma semaphore(%arg10 : memref<!tpu.dma_semaphore, #tpu.memory_space<semaphore_mem>>) src(%dma_wait3A_6 : memref<1000448xf32, #tpu.memory_space<hbm>>) dst(%arg7 : memref<13312xf32, #tpu.memory_space<vmem>>)
    %scan3A = arith.constant 0 : i32
    %scan3A_7 = arith.constant 0 : i32
    %scan3A_8 = arith.constant 32 : i32
    %scan3A_9 = arith.addi %scan3A_7, %scan3A_8 : i32
    %scan3A_10 = arith.constant 1 : i32
    %scan3A_11 = scf.for %scan3A_15 = %scan3A_7 to %scan3A_9 step %scan3A_10 iter_args(%scan3A_16 = %scan3A) -> (i32)  : i32 {
      %mul3A_17 = arith.constant 16 : i32
      %mul3A_18 = arith.muli %scan3A_15, %mul3A_17 : i32
      %add3A_19 = arith.constant 0 : i32
      %add3A_20 = arith.addi %add3A_19, %mul3A_18 : i32
      %get3A_21 = arith.index_cast %add3A_20 : i32 to index
      %get3A_22 = tpu.vector_load %arg7[%get3A_21] {strides = array<i32>} : memref<13312xf32, #tpu.memory_space<vmem>>, vector<16xf32>,
      %get3A_23 = vector.shape_cast %get3A_22 : vector<16xf32> to vector<16xf32>
      %add3A_24 = arith.addf %get3A_4, %get3A_23 : vector<16xf32>
      %add3A_25 = arith.constant 512 : i32
      %add3A_26 = arith.addi %add3A_25, %mul3A_18 : i32
      %get3A_27 = arith.index_cast %add3A_26 : i32 to index
      %get3A_28 = tpu.vector_load %arg7[%get3A_27] {strides = array<i32>} : memref<13312xf32, #tpu.memory_space<vmem>>, vector<16xf32>,
      %get3A_29 = vector.shape_cast %get3A_28 : vector<16xf32> to vector<16xf32>
      %add3A_30 = arith.addf %add3A_24, %get3A_29 : vector<16xf32>
      %add3A_31 = arith.constant 1024 : i32
      %add3A_32 = arith.addi %add3A_31, %mul3A_18 : i32
      %get3A_33 = arith.index_cast %add3A_32 : i32 to index
      %get3A_34 = tpu.vector_load %arg7[%get3A_33] {strides = array<i32>} : memref<13312xf32, #tpu.memory_space<vmem>>, vector<16xf32>,
      %get3A_35 = vector.shape_cast %get3A_34 : vector<16xf32> to vector<16xf32>
      %add3A_36 = arith.addf %add3A_30, %get3A_35 : vector<16xf32>
      %add3A_37 = arith.constant 1536 : i32
      %add3A_38 = arith.addi %add3A_37, %mul3A_18 : i32
      %get3A_39 = arith.index_cast %add3A_38 : i32 to index
      %get3A_40 = tpu.vector_load %arg7[%get3A_39] {strides = array<i32>} : memref<13312xf32, #tpu.memory_space<vmem>>, vector<16xf32>,
      %get3A_41 = vector.shape_cast %get3A_40 : vector<16xf32> to vector<16xf32>
      %add3A_42 = arith.addf %add3A_36, %get3A_41 : vector<16xf32>
      %add3A_43 = arith.constant 2048 : i32
      %add3A_44 = arith.addi %add3A_43, %mul3A_18 : i32
      %get3A_45 = arith.index_cast %add3A_44 : i32 to index
      %get3A_46 = tpu.vector_load %arg7[%get3A_45] {strides = array<i32>} : memref<13312xf32, #tpu.memory_space<vmem>>, vector<16xf32>,
      %get3A_47 = vector.shape_cast %get3A_46 : vector<16xf32> to vector<16xf32>
      %add3A_48 = arith.addf %add3A_42, %get3A_47 : vector<16xf32>
      %add3A_49 = arith.constant 2560 : i32
      %add3A_50 = arith.addi %add3A_49, %mul3A_18 : i32
      %get3A_51 = arith.index_cast %add3A_50 : i32 to index
      %get3A_52 = tpu.vector_load %arg7[%get3A_51] {strides = array<i32>} : memref<13312xf32, #tpu.memory_space<vmem>>, vector<16xf32>,
      %get3A_53 = vector.shape_cast %get3A_52 : vector<16xf32> to vector<16xf32>
      %add3A_54 = arith.addf %add3A_48, %get3A_53 : vector<16xf32>
      %add3A_55 = arith.constant 3072 : i32
      %add3A_56 = arith.addi %add3A_55, %mul3A_18 : i32
      %get3A_57 = arith.index_cast %add3A_56 : i32 to index
      %get3A_58 = tpu.vector_load %arg7[%get3A_57] {strides = array<i32>} : memref<13312xf32, #tpu.memory_space<vmem>>, vector<16xf32>,
      %get3A_59 = vector.shape_cast %get3A_58 : vector<16xf32> to vector<16xf32>
      %add3A_60 = arith.addf %add3A_54, %get3A_59 : vector<16xf32>
      %add3A_61 = arith.constant 3584 : i32
      %add3A_62 = arith.addi %add3A_61, %mul3A_18 : i32
      %get3A_63 = arith.index_cast %add3A_62 : i32 to index
      %get3A_64 = tpu.vector_load %arg7[%get3A_63] {strides = array<i32>} : memref<13312xf32, #tpu.memory_space<vmem>>, vector<16xf32>,
      %get3A_65 = vector.shape_cast %get3A_64 : vector<16xf32> to vector<16xf32>
      %add3A_66 = arith.addf %add3A_60, %get3A_65 : vector<16xf32>
      %add3A_67 = arith.constant 4096 : i32
      %add3A_68 = arith.addi %add3A_67, %mul3A_18 : i32
      %get3A_69 = arith.index_cast %add3A_68 : i32 to index
      %get3A_70 = tpu.vector_load %arg7[%get3A_69] {strides = array<i32>} : memref<13312xf32, #tpu.memory_space<vmem>>, vector<16xf32>,
      %get3A_71 = vector.shape_cast %get3A_70 : vector<16xf32> to vector<16xf32>
      %add3A_72 = arith.addf %add3A_66, %get3A_71 : vector<16xf32>
      %add3A_73 = arith.constant 4608 : i32
      %add3A_74 = arith.addi %add3A_73, %mul3A_18 : i32
      %get3A_75 = arith.index_cast %add3A_74 : i32 to index
      %get3A_76 = tpu.vector_load %arg7[%get3A_75] {strides = array<i32>} : memref<13312xf32, #tpu.memory_space<vmem>>, vector<16xf32>,
      %get3A_77 = vector.shape_cast %get3A_76 : vector<16xf32> to vector<16xf32>
      %add3A_78 = arith.addf %add3A_72, %get3A_77 : vector<16xf32>
      %add3A_79 = arith.constant 5120 : i32
      %add3A_80 = arith.addi %add3A_79, %mul3A_18 : i32
      %get3A_81 = arith.index_cast %add3A_80 : i32 to index
      %get3A_82 = tpu.vector_load %arg7[%get3A_81] {strides = array<i32>} : memref<13312xf32, #tpu.memory_space<vmem>>, vector<16xf32>,
      %get3A_83 = vector.shape_cast %get3A_82 : vector<16xf32> to vector<16xf32>
      %add3A_84 = arith.addf %add3A_78, %get3A_83 : vector<16xf32>
      %add3A_85 = arith.constant 5632 : i32
      %add3A_86 = arith.addi %add3A_85, %mul3A_18 : i32
      %get3A_87 = arith.index_cast %add3A_86 : i32 to index
      %get3A_88 = tpu.vector_load %arg7[%get3A_87] {strides = array<i32>} : memref<13312xf32, #tpu.memory_space<vmem>>, vector<16xf32>,
      %get3A_89 = vector.shape_cast %get3A_88 : vector<16xf32> to vector<16xf32>
      %add3A_90 = arith.addf %add3A_84, %get3A_89 : vector<16xf32>
      %add3A_91 = arith.constant 6144 : i32
      %add3A_92 = arith.addi %add3A_91, %mul3A_18 : i32
      %get3A_93 = arith.index_cast %add3A_92 : i32 to index
      %get3A_94 = tpu.vector_load %arg7[%get3A_93] {strides = array<i32>} : memref<13312xf32, #tpu.memory_space<vmem>>, vector<16xf32>,
      %get3A_95 = vector.shape_cast %get3A_94 : vector<16xf32> to vector<16xf32>
      %add3A_96 = arith.addf %add3A_90, %get3A_95 : vector<16xf32>
      %add3A_97 = arith.constant 6656 : i32
      %add3A_98 = arith.addi %add3A_97, %mul3A_18 : i32
      %get3A_99 = arith.index_cast %add3A_98 : i32 to index
      %get3A_100 = tpu.vector_load %arg7[%get3A_99] {strides = array<i32>} : memref<13312xf32, #tpu.memory_space<vmem>>, vector<16xf32>,
      %get3A_101 = vector.shape_cast %get3A_100 : vector<16xf32> to vector<16xf32>
      %add3A_102 = arith.addf %add3A_96, %get3A_101 : vector<16xf32>
      %add3A_103 = arith.constant 7168 : i32
      %add3A_104 = arith.addi %add3A_103, %mul3A_18 : i32
      %get3A_105 = arith.index_cast %add3A_104 : i32 to index
      %get3A_106 = tpu.vector_load %arg7[%get3A_105] {strides = array<i32>} : memref<13312xf32, #tpu.memory_space<vmem>>, vector<16xf32>,
      %get3A_107 = vector.shape_cast %get3A_106 : vector<16xf32> to vector<16xf32>
      %add3A_108 = arith.addf %add3A_102, %get3A_107 : vector<16xf32>
      %add3A_109 = arith.constant 7680 : i32
      %add3A_110 = arith.addi %add3A_109, %mul3A_18 : i32
      %get3A_111 = arith.index_cast %add3A_110 : i32 to index
      %get3A_112 = tpu.vector_load %arg7[%get3A_111] {strides = array<i32>} : memref<13312xf32, #tpu.memory_space<vmem>>, vector<16xf32>,
      %get3A_113 = vector.shape_cast %get3A_112 : vector<16xf32> to vector<16xf32>
      %add3A_114 = arith.addf %add3A_108, %get3A_113 : vector<16xf32>
      %add3A_115 = arith.constant 8192 : i32
      %add3A_116 = arith.addi %add3A_115, %mul3A_18 : i32
      %get3A_117 = arith.index_cast %add3A_116 : i32 to index
      %get3A_118 = tpu.vector_load %arg7[%get3A_117] {strides = array<i32>} : memref<13312xf32, #tpu.memory_space<vmem>>, vector<16xf32>,
      %get3A_119 = vector.shape_cast %get3A_118 : vector<16xf32> to vector<16xf32>
      %add3A_120 = arith.addf %add3A_114, %get3A_119 : vector<16xf32>
      %add3A_121 = arith.constant 8704 : i32
      %add3A_122 = arith.addi %add3A_121, %mul3A_18 : i32
      %get3A_123 = arith.index_cast %add3A_122 : i32 to index
      %get3A_124 = tpu.vector_load %arg7[%get3A_123] {strides = array<i32>} : memref<13312xf32, #tpu.memory_space<vmem>>, vector<16xf32>,
      %get3A_125 = vector.shape_cast %get3A_124 : vector<16xf32> to vector<16xf32>
      %add3A_126 = arith.addf %add3A_120, %get3A_125 : vector<16xf32>
      %add3A_127 = arith.constant 9216 : i32
      %add3A_128 = arith.addi %add3A_127, %mul3A_18 : i32
      %get3A_129 = arith.index_cast %add3A_128 : i32 to index
      %get3A_130 = tpu.vector_load %arg7[%get3A_129] {strides = array<i32>} : memref<13312xf32, #tpu.memory_space<vmem>>, vector<16xf32>,
      %get3A_131 = vector.shape_cast %get3A_130 : vector<16xf32> to vector<16xf32>
      %add3A_132 = arith.addf %add3A_126, %get3A_131 : vector<16xf32>
      %add3A_133 = arith.constant 9728 : i32
      %add3A_134 = arith.addi %add3A_133, %mul3A_18 : i32
      %get3A_135 = arith.index_cast %add3A_134 : i32 to index
      %get3A_136 = tpu.vector_load %arg7[%get3A_135] {strides = array<i32>} : memref<13312xf32, #tpu.memory_space<vmem>>, vector<16xf32>,
      %get3A_137 = vector.shape_cast %get3A_136 : vector<16xf32> to vector<16xf32>
      %add3A_138 = arith.addf %add3A_132, %get3A_137 : vector<16xf32>
      %add3A_139 = arith.constant 10240 : i32
      %add3A_140 = arith.addi %add3A_139, %mul3A_18 : i32
      %get3A_141 = arith.index_cast %add3A_140 : i32 to index
      %get3A_142 = tpu.vector_load %arg7[%get3A_141] {strides = array<i32>} : memref<13312xf32, #tpu.memory_space<vmem>>, vector<16xf32>,
      %get3A_143 = vector.shape_cast %get3A_142 : vector<16xf32> to vector<16xf32>
      %add3A_144 = arith.addf %add3A_138, %get3A_143 : vector<16xf32>
      %add3A_145 = arith.constant 10752 : i32
      %add3A_146 = arith.addi %add3A_145, %mul3A_18 : i32
      %get3A_147 = arith.index_cast %add3A_146 : i32 to index
      %get3A_148 = tpu.vector_load %arg7[%get3A_147] {strides = array<i32>} : memref<13312xf32, #tpu.memory_space<vmem>>, vector<16xf32>,
      %get3A_149 = vector.shape_cast %get3A_148 : vector<16xf32> to vector<16xf32>
      %add3A_150 = arith.addf %add3A_144, %get3A_149 : vector<16xf32>
      %add3A_151 = arith.constant 11264 : i32
      %add3A_152 = arith.addi %add3A_151, %mul3A_18 : i32
      %get3A_153 = arith.index_cast %add3A_152 : i32 to index
      %get3A_154 = tpu.vector_load %arg7[%get3A_153] {strides = array<i32>} : memref<13312xf32, #tpu.memory_space<vmem>>, vector<16xf32>,
      %get3A_155 = vector.shape_cast %get3A_154 : vector<16xf32> to vector<16xf32>
      %add3A_156 = arith.addf %add3A_150, %get3A_155 : vector<16xf32>
      %add3A_157 = arith.constant 11776 : i32
      %add3A_158 = arith.addi %add3A_157, %mul3A_18 : i32
      %get3A_159 = arith.index_cast %add3A_158 : i32 to index
      %get3A_160 = tpu.vector_load %arg7[%get3A_159] {strides = array<i32>} : memref<13312xf32, #tpu.memory_space<vmem>>, vector<16xf32>,
      %get3A_161 = vector.shape_cast %get3A_160 : vector<16xf32> to vector<16xf32>
      %add3A_162 = arith.addf %add3A_156, %get3A_161 : vector<16xf32>
      %add3A_163 = arith.constant 12288 : i32
      %add3A_164 = arith.addi %add3A_163, %mul3A_18 : i32
      %get3A_165 = arith.index_cast %add3A_164 : i32 to index
      %get3A_166 = tpu.vector_load %arg7[%get3A_165] {strides = array<i32>} : memref<13312xf32, #tpu.memory_space<vmem>>, vector<16xf32>,
      %get3A_167 = vector.shape_cast %get3A_166 : vector<16xf32> to vector<16xf32>
      %add3A_168 = arith.addf %add3A_162, %get3A_167 : vector<16xf32>
      %add3A_169 = arith.constant 12800 : i32
      %add3A_170 = arith.addi %add3A_169, %mul3A_18 : i32
      %get3A_171 = arith.index_cast %add3A_170 : i32 to index
      %get3A_172 = tpu.vector_load %arg7[%get3A_171] {strides = array<i32>} : memref<13312xf32, #tpu.memory_space<vmem>>, vector<16xf32>,
      %get3A_173 = vector.shape_cast %get3A_172 : vector<16xf32> to vector<16xf32>
      %add3A_174 = arith.addf %add3A_168, %get3A_173 : vector<16xf32>
      %neg3A = arith.constant 0.000000e+00 : f32
      %neg3A_175 = vector.broadcast %neg3A : f32 to vector<16xf32>
      %neg3A_176 = arith.subf %neg3A_175, %add3A_174 : vector<16xf32>
      %exp3A = math.exp %neg3A_176 : vector<16xf32>
      %add3A_177 = arith.constant 1.000000e+00 : f32
      %add3A_178 = vector.broadcast %add3A_177 : f32 to vector<16xf32>
      %add3A_179 = arith.addf %add3A_178, %exp3A : vector<16xf32>
      %div3A = arith.constant 1.000000e+00 : f32
      %div3A_180 = vector.broadcast %div3A : f32 to vector<16xf32>
      %div3A_181 = arith.divf %div3A_180, %add3A_179 : vector<16xf32>
      %swap3A = arith.index_cast %mul3A_18 : i32 to index
      %swap3A_182 = tpu.vector_load %arg8[%swap3A] {strides = array<i32>} : memref<512xf32, #tpu.memory_space<vmem>>, vector<16xf32>,
      %swap3A_183 = vector.shape_cast %swap3A_182 : vector<16xf32> to vector<16xf32>
      %swap3A_184 = vector.shape_cast %div3A_181 : vector<16xf32> to vector<16xf32>
      tpu.vector_store %arg8[%swap3A], %swap3A_184 {strides = array<i32>} : memref<512xf32, #tpu.memory_space<vmem>>, vector<16xf32>,
      %scan3A_185 = arith.constant 0 : i32
      scf.yield %scan3A_185 : i32
    }
    %scan3A_12 = arith.constant 32 : i32
    %mul3A_13 = arith.constant 512 : i32
    %mul3A_14 = arith.muli %add3A, %mul3A_13 : i32
    "tpu.region"() ({
      %run_scoped3A = tpu.sem_alloc : memref<!tpu.dma_semaphore, #tpu.memory_space<semaphore_mem>>
      %dma_start3A_15 = tpu.memref_slice %arg5[%mul3A_14] : memref<16384xf32, #tpu.memory_space<hbm>> -> memref<512xf32, #tpu.memory_space<hbm>>
      %dma_start3A_16 = tpu.memref_slice %arg5[%mul3A_14] : memref<16384xf32, #tpu.memory_space<hbm>> -> memref<512xf32, #tpu.memory_space<hbm>>
      tpu.enqueue_dma source(%arg8 : memref<512xf32, #tpu.memory_space<vmem>>) target(%dma_start3A_16 : memref<512xf32, #tpu.memory_space<hbm>>) target_semaphore(%run_scoped3A : memref<!tpu.dma_semaphore, #tpu.memory_space<semaphore_mem>>)
      %dma_wait3A_17 = tpu.memref_slice %arg5[%mul3A_14] : memref<16384xf32, #tpu.memory_space<hbm>> -> memref<512xf32, #tpu.memory_space<hbm>>
      %dma_wait3A_18 = tpu.memref_slice %arg5[%mul3A_14] : memref<16384xf32, #tpu.memory_space<hbm>> -> memref<512xf32, #tpu.memory_space<hbm>>
      tpu.wait_dma2 semaphore(%run_scoped3A : memref<!tpu.dma_semaphore, #tpu.memory_space<semaphore_mem>>) src(%arg8 : memref<512xf32, #tpu.memory_space<vmem>>) dst(%dma_wait3A_18 : memref<512xf32, #tpu.memory_space<hbm>>)
      tpu.yield
    }) : () -> ()
    return
  }
}

</mosaic_0001>

<sc_bundles>
// kernel: kernel.3.cloned.1.call-start
scs
__scs_entry_jumppad:
0x0: {  	(pc) =	sbr.rel $0x88, $3  }
0x1: {  	(tag) =	ssettag $0x0;
	lr =	simm.s32 $0x1  }
0x2: {  	[smem:$0x3F9E] =	sst lr;
	_ =	strace $0xD0000000  }
0x3: {  	_ = 	snop  }
0x4: {  	_ = 	snop  }
0x5: {  	_ = 	snop  }
0x6: {  	_ = 	snop  }
0x7: {  	_ = 	snop  }
__scs_overlays_trampoline_lowered:
0x8: {  	[smem:$0x3FAD] =	sst s0  }
0x9: {  	[smem:$0x3FAE] =	sst s1  }
0xa: {  	[smem:$0x3FAF] =	sst s2  }
0xb: {  	[smem:$0x3FB0] =	sst s3  }
0xc: {  	[smem:$0x3FB1] =	sst s4  }
0xd: {  	[smem:$0x3FB2] =	sst s5  }
0xe: {  	[smem:$0x3FB3] =	sst s6  }
0xf: {  	[smem:$0x3FB4] =	sst s7  }
0x10: {  	[smem:$0x3FB5] =	sst s8  }
0x11: {  	[smem:$0x3FB6] =	sst s9;
	s0 =	simm.s32 @!p0 $0x0  }
0x12: {  	s1 =	sld [smem:$0x3F9C];
	s0 =	simm.s32 @p0 $0x1  }
0x13: {  	[smem:$0x3FB7] =	sst s0;
	s0 =	simm.s32 @!p1 $0x0  }
0x14: {  	s2 =	sld [smem:$0x3F9B];
	s0 =	simm.s32 @p1 $0x1  }
0x15: {  	[smem:$0x3FB8] =	sst s0;
	s0 =	simm.s32 @!p2 $0x0  }
0x16: {  	s3 =	sld [smem:$0x3FDB];
	s0 =	simm.s32 @p2 $0x1  }
0x17: {  	s4 =	simm.s32 $0x1BF5;
	[smem:$0x3FBA] =	sst s0  }
0x18: {  	s0 =	sld [smem:$0x3F9D];
	_ =	swait.ge [sflag:s4], $0x0  }
0x19: {  	s7 =	sld [smem:$0x3F9E]  }
0x1a: {  	s8 =	sadd.s32 $0xFFFFE003, lr  }
0x1b: {  	s9 =	sadd.s32 $0xFFFFFEF7, lr;
	s5 =	simm.s32 $0xFFFFFFFF;
	p2 =	slt.u32 s8, $0xFFFFF086  }
0x1c: {  	p1 =	slt.u32 s9, $0xF7A;
	s5 =	simm.s32 @!p2 $0x0  }
0x1d: {  	s5 =	simm.s32 @p1 $0x1;
	p0 =	seq.s32 s7, s2  }
0x1e: {  	s7 =	smul.u32 @!p0 $0xF7A, s2;
	p2 =	seq.s32 @!p0 s5, $0x0  }
0x1f: {  	s9 =	smul.u32 $0xF7A, s1;
	s8 =	simm.s32 @!p0 $0x1BF5;
	p2 =	por !p2, p0  }
0x20: {  	[sflag:s8] =	ssyncset.s32 @!p0 $0xFFFFF086;
	s6 =	sadd.s32 @!p0 s3, s7;
	s7 =	simm.s32 @!p0 $0x108  }
0x21: {  	s3 =	sadd.s32 s3, s9;
	s6 =	sadd.s32 @!p0 $0x88, s6;
	s7 =	simm.s32 @p2 $0x1082  }
0x22: {  	[simem:s7], [sflag:s8] =	dma.local @!p0 [hbm:s6], $0xF7A  }
0x23: {  	s9 =	sor.u32 $0xD0000000, s2;
	s6 =	simm.s32 $0x108;
	_ =	swait.ge @!p0 [sflag:s8], $0x0  }
0x24: {  	s3 =	sadd.s32 $0x88, s3;
	s6 =	simm.s32 @!p1 $0x1082;
	[sflag:s4] =	ssyncset.s32 $0xFFFFF086  }
0x25: {  	[simem:s6], [sflag:s4] =	dma.local [hbm:s3], $0xF7A  }
0x26: {  	[smem:$0x3F9E] =	sst s1;
	(tag) =	ssettag s2;
	_ =	strace s9  }
0x27: {  	s1 =	sld [smem:$0x3FAE]  }
0x28: {  	s2 =	sld [smem:$0x3FAF]  }
0x29: {  	s4 =	sld [smem:$0x3FB1]  }
0x2a: {  	p0 =	seq.s32 s5, $0x0;
	s5 =	sld [smem:$0x3FB2]  }
0x2b: {  	s6 =	sld [smem:$0x3FB3]  }
0x2c: {  	s7 =	sld [smem:$0x3FB4]  }
0x2d: {  	s3 =	simm.s32 $0x108;
	s8 =	sld [smem:$0x3FB5]  }
0x2e: {  	s3 =	simm.s32 @!p0 $0x1082;
	s9 =	sld [smem:$0x3FB6]  }
0x2f: {  	lr =	sadd.s32 s0, s3;
	s0 =	sld [smem:$0x3FAD]  }
0x30: {  	s3 =	sld [smem:$0x3FB0]  }
0x31: {  	[smem:$0x3FB9] =	sst s10  }
0x32: {  	s10 =	sld [smem:$0x3FB7];
	_ =	sdelay $0x3  }
0x33: {  	p0 =	seq.s32 s10, $0x1;
	s10 =	sld [smem:$0x3FB9];
	_ =	sdelay $0x3  }
0x34: {  	[smem:$0x3FB9] =	sst s10  }
0x35: {  	s10 =	sld [smem:$0x3FB8];
	_ =	sdelay $0x3  }
0x36: {  	p1 =	seq.s32 s10, $0x1;
	s10 =	sld [smem:$0x3FB9];
	_ =	sdelay $0x3  }
0x37: {  	[smem:$0x3FB9] =	sst s10  }
0x38: {  	s10 =	sld [smem:$0x3FBA]  }
0x39: {  	_ = 	snop;
	(pc) =	sbr.ind lr, $3  }
0x3a: {  	_ = 	snop  }
0x3b: {  	_ = 	snop  }
0x3c: {  	p2 =	seq.s32 s10, $0x1;
	s10 =	sld [smem:$0x3FB9]  }
0x3d: {  	_ =	shalt  }
0x3e: {  	_ =	shalt  }
0x3f: {  	_ =	shalt  }
0x40: {  	_ =	shalt  }
0x41: {  	_ =	shalt  }
0x42: {  	_ =	shalt  }
0x43: {  	_ =	shalt  }
0x44: {  	_ =	shalt  }
0x45: {  	_ =	shalt  }
0x46: {  	_ =	shalt  }
0x47: {  	_ =	shalt  }
0x48: {  	_ =	shalt  }
0x49: {  	_ =	shalt  }
0x4a: {  	_ =	shalt  }
0x4b: {  	_ =	shalt  }
0x4c: {  	_ =	shalt  }
0x4d: {  	_ =	shalt  }
0x4e: {  	_ =	shalt  }
0x4f: {  	_ =	shalt  }
0x50: {  	_ =	shalt  }
0x51: {  	_ =	shalt  }
0x52: {  	_ =	shalt  }
0x53: {  	_ =	shalt  }
0x54: {  	_ =	shalt  }
0x55: {  	_ =	shalt  }
0x56: {  	_ =	shalt  }
0x57: {  	_ =	shalt  }
0x58: {  	_ =	shalt  }
0x59: {  	_ =	shalt  }
0x5a: {  	_ =	shalt  }
0x5b: {  	_ =	shalt  }
0x5c: {  	_ =	shalt  }
0x5d: {  	_ =	shalt  }
0x5e: {  	_ =	shalt  }
0x5f: {  	_ =	shalt  }
0x60: {  	_ =	shalt  }
0x61: {  	_ =	shalt  }
0x62: {  	_ =	shalt  }
0x63: {  	_ =	shalt  }
0x64: {  	_ =	shalt  }
0x65: {  	_ =	shalt  }
0x66: {  	_ =	shalt  }
0x67: {  	_ =	shalt  }
0x68: {  	_ =	shalt  }
0x69: {  	_ =	shalt  }
0x6a: {  	_ =	shalt  }
0x6b: {  	_ =	shalt  }
0x6c: {  	_ =	shalt  }
0x6d: {  	_ =	shalt  }
0x6e: {  	_ =	shalt  }
0x6f: {  	_ =	shalt  }
0x70: {  	_ =	shalt  }
0x71: {  	_ =	shalt  }
0x72: {  	_ =	shalt  }
0x73: {  	_ =	shalt  }
0x74: {  	_ =	shalt  }
0x75: {  	_ =	shalt  }
0x76: {  	_ =	shalt  }
0x77: {  	_ =	shalt  }
0x78: {  	_ =	shalt  }
0x79: {  	_ =	shalt  }
0x7a: {  	_ =	shalt  }
0x7b: {  	_ =	shalt  }
0x7c: {  	_ =	shalt  }
0x7d: {  	_ =	shalt  }
0x7e: {  	_ =	shalt  }
0x7f: {  	_ =	shalt  }
0x80: {  	_ =	shalt  }
0x81: {  	_ =	shalt  }
0x82: {  	_ =	shalt  }
0x83: {  	_ =	shalt  }
0x84: {  	_ =	shalt  }
0x85: {  	_ =	shalt  }
0x86: {  	_ =	shalt  }
0x87: {  	_ =	shalt  }
.Lfunc_end0:
.L_simem_size_0:
called_computation_lowered:
.L_overlay_start_0:
0x88: {  	s2 =	sld [smem:$0x3FD9]  }
0x89: {  	s3 =	sld [smem:$0x3FFE];
	_ =	sdelay $0x1  }
0x8a: {  	s1 =	srdreg.scid  }
0x8b: {  	s0 =	sand.u32 $0x1, s1  }
0x8c: {  	s17 =	sshll.u32 s0, $0xA;
	s2 =	sadd.s32 s3, s2  }
0x8d: {  	s2 =	sadd.s32 s2, s17  }
0x8e: {  	[smem:$0x3FC5] =	sst s2  }
0x8f: {  	_ = 	snop  }
0x90: {  	s2 =	sld [smem:$0x3FD0];
	(tm) =	ssettm $0x1  }
0x91: {  	s18 =	sld [smem:$0x3FFB];
	_ =	sdelay $0x3  }
0x92: {  	_ =	strace s18  }
0x93: {  	s3 =	sld [smem:$0x3FFC];
	_ =	sdelay $0x3  }
0x94: {  	_ =	strace s3  }
0x95: {  	s3 =	sld [smem:$0x3FFD];
	_ =	sdelay $0x3  }
0x96: {  	_ =	strace s3  }
0x97: {  	_ =	strace $0x8FFFFFFF  }
0x98: {  	s19 =	sld [smem:$0x3FDB];
	_ =	sdelay $0x1  }
0x99: {  	s4 =	simm.s32 $_scs_section_size  }
0x9a: {  	s5 =	simm.s32 $_size__tile_overlayer_lowered;
	s6 =	simm.s32 $_tile_overlayer_lowered  }
0x9b: {  	s22 =	simm.s32 $0x1BFF;
	s21 =	sshll.u32 s6, $0x1;
	s3 =	sadd.s32 s4, s19  }
0x9c: {  	s7 =	simm.s32 $0x0;
	s20 =	sshll.u32 s5, $0x1;
	s5 =	sadd.s32 s21, s3  }
0x9d: {  	[timem:s7], [sflag:s22] =	dma.local [hbm:s5], s20  }
0x9e: {  	_ =	swait.ge [sflag:s22], s20  }
0x9f: {  	s4 =	ssub.s32 $0x0, s20;
	[sflag:s22] =	ssyncset.done $0x0  }
0xa0: {  	[sflag:s22] =	ssyncadd.s32 s4;
	_ =	sdelay $0x1  }
0xa1: {  	s23 =	simm.s32 $0x1B8B  }
0xa2: {  	_ =	swait.ge [sflag:s23], $0x1  }
0xa3: {  	[sflag:s23] =	ssyncset.done $0x0  }
0xa4: {  	s25 =	simm.s32 $0x1B8E;
	s24 =	sld [smem:$0x3FFE];
	[sflag:s23] =	ssyncadd.s32 $0xFFFFFFFF  }
0xa5: {  	s26 =	simm.s32 $execute0_lowered;
	[smem:$0x3FD2] =	sst s25  }
0xa6: {  	s5 =	sshll.u32 s26, $0x1;
	_ =	strace $0x80000046;
	[dreg:$0x1] =	wrdreg $0xFFFFFFFF  }
0xa7: {  	s28 =	simm.s32 $_size_execute0_lowered;
	s3 =	sadd.s32 s3, s5;
	[dreg:$0x0] =	wrdreg $0x0  }
0xa8: {  	s5 =	sshll.u32 s28, $0x1;
	[dreg:$0x2] =	wrdreg s3  }
0xa9: {  	[dreg:$0x3] =	wrdreg s5  }
0xaa: {  	[dreg:$0x4] =	wrdreg $0xC0  }
0xab: {  	_ =	task [dreg:s7], $0x5FFFF  }
0xac: {  	[dreg:$0x1] =	wrdreg $0xFFFFFFFF  }
0xad: {  	[dreg:$0x0] =	wrdreg $0x60  }
0xae: {  	[dreg:$0x2] =	wrdreg s24  }
0xaf: {  	[dreg:$0x3] =	wrdreg s2  }
0xb0: {  	[dreg:$0x4] =	wrdreg $0x9  }
0xb1: {  	_ =	task.clear_ibuf [dreg:s7], $0x5FFFF;
	_ =	strace $0x90000046  }
0xb2: {  	s29 =	simm.s32 $0x9;
	_ =	strace $0x80000048  }
0xb3: {  	_ =	swait.ge [sflag:s29], $0x1  }
0xb4: {  	[sflag:s29] =	ssyncadd.s32 $0xFFFFFFFF  }
0xb5: {  	_ =	strace $0x90000048  }
0xb6: {  	_ =	sfence  }
0xb7: {  	s30 =	sld [smem:$0x0];
	_ =	sdelay $0x2  }
0xb8: {  	s31 =	sshll.u32 s1, $0xD;
	s1 =	sshrl.u32 s1, $0x2  }
0xb9: {  	s3 =	sand.u32 $0x4000, s31;
	s1 =	sadd.s32 s1, s30  }
0xba: {  	s0 =	sor.u32 s3, s0;
	s1 =	sshll.u32 s1, $0x11  }
0xbb: {  	s0 =	sor.u32 s1, s0  }
0xbc: {  	s0 =	sadd.s32 $0x8F2B, s0  }
0xbd: {  	[sflag:s0] =	ssyncadd.remote.s32 $0x1  }
0xbe: {  	_ =	sfence.sel $0xFFFF  }
0xbf: {  	[dreg:$0x0] =	wrdreg $0xFFFFFFFF;
	(pc) =	sbr.abs _section_cstart, $3  }
0xc0: {  	[dreg:$0x1] =	wrdreg $0xFFFFFFFF  }
0xc1: {  	_ =	task.clear_ibuf [dreg:s7], $0x2FFFF;
	_ =	strace $0x9FFFFFFF  }
0xc2: {  	(tm) =	ssettm $0x7FFFFFFF  }
0xc3: {  	_ =	shalt  }
tec
execute0_lowered:
.L_overlay_start_1:
0x0: {  	(tag) =	ssettag $0x1  }
0x1: {  	s4 =	rddreg [dreg:$0x0]  }
0x2: {  	s1 =	srdreg.scid;
	s0 =	stileid.u32  }
0x3: {  	s6 =	rddreg [dreg:$0x1];
	s2 =	simm.s32 $0x0;
	s10 =	simm.s32 $0x1  }
0x4: {  	s11 =	simm.s32 $0x6800;
	s5 =	sand.u32 $0x1, s1;
	s3 =	sshll.u32 s0, $0x1  }
0x5: {  	s12 =	simm.s32 $0x0;
	s1 =	rddreg [dreg:$0x2];
	s7 =	sor.u32 s5, s3  }
0x6: {  	[smem:$0x7FF] =	sst s2;
	s5 =	ssub.s32 $0x2, s5;
	s3 =	smul.u32 $0x680, s7  }
0x7: {  	_ =	strace $0x80000047;
	s9 =	sshrl.u32 s5, $0x1;
	s7 =	sshll.u32 s7, $0x6  }
0x8: {  	s9 =	ssub.s32 s5, s9;
	s6 =	sadd.s32 s6, s7;
	s8 =	sadd.s32 s3, s4  }
0x9: {  	s3 =	sadd.s32 $0xD600, s4;
	s4 =	sadd.s32 $0x2C000, s4;
	s7 =	smax.u32 s9, $0x1  }
0xa: {  	s9 =	simm.s32 $0x6A00;
	s5 =	sadd.s32 $0x600, s8;
	s8 =	simm.s32 $0x2  }
.LBB2_1:
0xb: {  	[tilespmem:s2], [sflag:$0x2] =	stream.linear.gather [hbm4b:s5+s2], $0x3400, $0x38;
	[tilespmem:$0x6A80] =	vst v63  }
0xc: {  	_ =	swait.ge [sflag:s8], $0x3400  }
0xd: {  	[sflag:s8] =	ssyncset.done $0x0  }
0xe: {  	[sflag:s8] =	ssyncadd.s32 $0xFFFFCC00  }
0xf: {  	[tilespmem:s9], [sflag:$0x2] =	stream.linear.gather [hbm4b:s4+s2], $0x80, $0x38;
	[tilespmem:$0x6A80] =	vst v63  }
0x10: {  	_ =	swait.ge [sflag:s8], $0x80  }
0x11: {  	[sflag:s8] =	ssyncset.done $0x0  }
0x12: {  	s13 =	simm.s32 $0x3400;
	[sflag:s8] =	ssyncadd.s32 $0xFFFFFF80  }
0x13: {  	v0 =	vld [tilespmem:$0x6A00];
	[tilespmem:s13], [sflag:$0x1] =	stream.indirect.gather [hbm4b:s3+s13], $0x1, s2, s13, $0xb8  }
0x14: {  	_ =	swait.ge [sflag:s10], $0x3400  }
0x15: {  	[sflag:s10] =	ssyncset.done $0x0  }
0x16: {  	[sflag:s10] =	ssyncadd.s32 $0xFFFFCC00  }
0x17: {  	v1 =	vld [tilespmem:s13+$0x0]  }
0x18: {  	s31 =	sand.u32 $0x1F0, s2  }
0x19: {  	v2 =	vld [tilespmem:s31+$0x3600];
	_ =	sdelay $0x1  }
0x1a: {  	v3 =	vld [tilespmem:s31+$0x3800]  }
0x1b: {  	v1 =	vadd.f32 v1, v0  }
0x1c: {  	v4 =	vld [tilespmem:s31+$0x3A00]  }
0x1d: {  	v1 =	vadd.f32 v2, v1  }
0x1e: {  	v2 =	vld [tilespmem:s31+$0x3C00]  }
0x1f: {  	v1 =	vadd.f32 v3, v1  }
0x20: {  	v3 =	vld [tilespmem:s31+$0x3E00]  }
0x21: {  	v1 =	vadd.f32 v4, v1  }
0x22: {  	v57 =	vld [tilespmem:s31+$0x4000]  }
0x23: {  	v1 =	vadd.f32 v2, v1  }
0x24: {  	v2 =	vld [tilespmem:s31+$0x4200]  }
0x25: {  	v1 =	vadd.f32 v3, v1  }
0x26: {  	v3 =	vld [tilespmem:s31+$0x4400]  }
0x27: {  	v1 =	vadd.f32 v57, v1  }
0x28: {  	v58 =	vld [tilespmem:s31+$0x4600]  }
0x29: {  	v1 =	vadd.f32 v2, v1  }
0x2a: {  	v2 =	vld [tilespmem:s31+$0x4800]  }
0x2b: {  	v1 =	vadd.f32 v3, v1  }
0x2c: {  	v3 =	vld [tilespmem:s31+$0x4A00]  }
0x2d: {  	v1 =	vadd.f32 v58, v1  }
0x2e: {  	v59 =	vld [tilespmem:s31+$0x4C00]  }
0x2f: {  	v1 =	vadd.f32 v2, v1  }
0x30: {  	v2 =	vld [tilespmem:s31+$0x4E00]  }
0x31: {  	v1 =	vadd.f32 v3, v1  }
0x32: {  	v3 =	vld [tilespmem:s31+$0x5000]  }
0x33: {  	v1 =	vadd.f32 v59, v1  }
0x34: {  	v60 =	vld [tilespmem:s31+$0x5200]  }
0x35: {  	v1 =	vadd.f32 v2, v1  }
0x36: {  	v2 =	vld [tilespmem:s31+$0x5400]  }
0x37: {  	v1 =	vadd.f32 v3, v1  }
0x38: {  	v3 =	vld [tilespmem:s31+$0x5600]  }
0x39: {  	v1 =	vadd.f32 v60, v1  }
0x3a: {  	v61 =	vld [tilespmem:s31+$0x5800]  }
0x3b: {  	v1 =	vadd.f32 v2, v1  }
0x3c: {  	v2 =	vld [tilespmem:s31+$0x5A00]  }
0x3d: {  	v1 =	vadd.f32 v3, v1  }
0x3e: {  	v3 =	vld [tilespmem:s31+$0x5C00]  }
0x3f: {  	v1 =	vadd.f32 v61, v1  }
0x40: {  	v62 =	vld [tilespmem:s31+$0x5E00]  }
0x41: {  	v1 =	vadd.f32 v2, v1  }
0x42: {  	v2 =	vld [tilespmem:s31+$0x6000]  }
0x43: {  	v1 =	vadd.f32 v3, v1  }
0x44: {  	v3 =	vld [tilespmem:s31+$0x6200]  }
0x45: {  	v1 =	vadd.f32 v62, v1  }
0x46: {  	v63 =	vld [tilespmem:s31+$0x6400]  }
0x47: {  	v1 =	vadd.f32 v2, v1  }
0x48: {  	v2 =	vld [tilespmem:s31+$0x6600]  }
0x49: {  	v1 =	vadd.f32 v3, v1;
	_ =	sdelay $0x1  }
0x4a: {  	v1 =	vadd.f32 v63, v1;
	_ =	sdelay $0x1  }
0x4b: {  	v1 =	vadd.f32 v2, v1;
	_ =	sdelay $0x1  }
0x4c: {  	v1 =	vsub.f32 $0.0e+00, v1;
	_ =	sdelay $0x1  }
0x4d: {  	v1 =	vmul.f32 $1.442695020e+00, v1;
	_ =	sdelay $0x1  }
0x4e: {  	(erf) = vpow2.f32 v1;
	_ =	sdelay $0x8  }
0x4f: {  	v1 =	vpop (erf)  }
0x50: {  	v1 =	vadd.f32 $1.000000000e+00, v1;
	_ =	sdelay $0x1  }
0x51: {  	(erf) = vrcp.f32 v1;
	_ =	sdelay $0x8  }
0x52: {  	v1 =	vpop (erf)  }
0x53: {  	s14 =	simm.s32 $0x3410;
	[tilespmem:s11+$0x0] =	vst v1  }
0x54: {  	s15 =	simm.s32 $0x10;
	s16 =	simm.s32 $0x20;
	s13 =	simm.s32 $0x6800;
	v1 =	vld [tilespmem:s14+$0x0]  }
.LBB2_2:
0x55: {  	p0 =	sne.s32 s16, $0x1F0;
	s17 =	sand.u32 $0x1F0, s15;
	s15 =	smov.u32 s16  }
0x56: {  	v2 =	vld [tilespmem:s17+$0x3600];
	_ =	sdelay $0x1  }
0x57: {  	v3 =	vld [tilespmem:s17+$0x3800]  }
0x58: {  	v1 =	vadd.f32 v1, v0  }
0x59: {  	v4 =	vld [tilespmem:s17+$0x3A00]  }
0x5a: {  	v1 =	vadd.f32 v2, v1  }
0x5b: {  	v2 =	vld [tilespmem:s17+$0x3C00]  }
0x5c: {  	v1 =	vadd.f32 v3, v1  }
0x5d: {  	v3 =	vld [tilespmem:s17+$0x3E00]  }
0x5e: {  	v1 =	vadd.f32 v4, v1  }
0x5f: {  	v4 =	vld [tilespmem:s17+$0x4000]  }
0x60: {  	v1 =	vadd.f32 v2, v1  }
0x61: {  	v2 =	vld [tilespmem:s17+$0x4200]  }
0x62: {  	v1 =	vadd.f32 v3, v1  }
0x63: {  	v3 =	vld [tilespmem:s17+$0x4400]  }
0x64: {  	v1 =	vadd.f32 v4, v1  }
0x65: {  	v4 =	vld [tilespmem:s17+$0x4600]  }
0x66: {  	v1 =	vadd.f32 v2, v1  }
0x67: {  	v2 =	vld [tilespmem:s17+$0x4800]  }
0x68: {  	v1 =	vadd.f32 v3, v1  }
0x69: {  	v3 =	vld [tilespmem:s17+$0x4A00]  }
0x6a: {  	v1 =	vadd.f32 v4, v1  }
0x6b: {  	v4 =	vld [tilespmem:s17+$0x4C00]  }
0x6c: {  	v1 =	vadd.f32 v2, v1  }
0x6d: {  	v2 =	vld [tilespmem:s17+$0x4E00]  }
0x6e: {  	v1 =	vadd.f32 v3, v1  }
0x6f: {  	v3 =	vld [tilespmem:s17+$0x5000]  }
0x70: {  	v1 =	vadd.f32 v4, v1  }
0x71: {  	v4 =	vld [tilespmem:s17+$0x5200]  }
0x72: {  	v1 =	vadd.f32 v2, v1  }
0x73: {  	v2 =	vld [tilespmem:s17+$0x5400]  }
0x74: {  	v1 =	vadd.f32 v3, v1  }
0x75: {  	v3 =	vld [tilespmem:s17+$0x5600]  }
0x76: {  	v1 =	vadd.f32 v4, v1  }
0x77: {  	v4 =	vld [tilespmem:s17+$0x5800]  }
0x78: {  	v1 =	vadd.f32 v2, v1  }
0x79: {  	v2 =	vld [tilespmem:s17+$0x5A00]  }
0x7a: {  	v1 =	vadd.f32 v3, v1  }
0x7b: {  	v3 =	vld [tilespmem:s17+$0x5C00]  }
0x7c: {  	v1 =	vadd.f32 v4, v1  }
0x7d: {  	v4 =	vld [tilespmem:s17+$0x5E00]  }
0x7e: {  	v1 =	vadd.f32 v2, v1  }
0x7f: {  	v2 =	vld [tilespmem:s17+$0x6000]  }
0x80: {  	v1 =	vadd.f32 v3, v1  }
0x81: {  	v3 =	vld [tilespmem:s17+$0x6200]  }
0x82: {  	v1 =	vadd.f32 v4, v1  }
0x83: {  	v4 =	vld [tilespmem:s17+$0x6400]  }
0x84: {  	v1 =	vadd.f32 v2, v1  }
0x85: {  	v2 =	vld [tilespmem:s17+$0x6600]  }
0x86: {  	v1 =	vadd.f32 v3, v1;
	_ =	sdelay $0x1  }
0x87: {  	v1 =	vadd.f32 v4, v1;
	_ =	sdelay $0x1  }
0x88: {  	v1 =	vadd.f32 v2, v1;
	_ =	sdelay $0x1  }
0x89: {  	v1 =	vsub.f32 $0.0e+00, v1;
	_ =	sdelay $0x1  }
0x8a: {  	v1 =	vmul.f32 $1.442695020e+00, v1;
	_ =	sdelay $0x1  }
0x8b: {  	(erf) = vpow2.f32 v1;
	_ =	sdelay $0x8  }
0x8c: {  	v1 =	vpop (erf)  }
0x8d: {  	v1 =	vadd.f32 $1.000000000e+00, v1;
	_ =	sdelay $0x1  }
0x8e: {  	(erf) = vrcp.f32 v1;
	_ =	sdelay $0x6  }
.Ltmp0:
0x8f: {  	(pc) =	sbr.rel @p0 .LBB2_2-.Ltmp0, $4  }
0x90: {  	_ = 	snop  }
0x91: {  	s13 =	sadd.s32 $0x10, s13;
	v1 =	vpop (erf)  }
0x92: {  	s14 =	sadd.s32 $0x10, s14;
	[tilespmem:s13+$0x0] =	vst v1  }
0x93: {  	s16 =	sadd.s32 $0x10, s16;
	v1 =	vld [tilespmem:s14+$0x0]  }
0x94: {  	s14 =	sand.u32 $0x1F0, s15  }
0x95: {  	v2 =	vld [tilespmem:s14+$0x3600];
	_ =	sdelay $0x1  }
0x96: {  	v3 =	vld [tilespmem:s14+$0x3800]  }
0x97: {  	v0 =	vadd.f32 v1, v0  }
0x98: {  	v41 =	vld [tilespmem:s14+$0x3A00]  }
0x99: {  	v0 =	vadd.f32 v2, v0  }
0x9a: {  	v42 =	vld [tilespmem:s14+$0x3C00]  }
0x9b: {  	v0 =	vadd.f32 v3, v0  }
0x9c: {  	v43 =	vld [tilespmem:s14+$0x3E00]  }
0x9d: {  	v0 =	vadd.f32 v41, v0  }
0x9e: {  	v44 =	vld [tilespmem:s14+$0x4000]  }
0x9f: {  	v0 =	vadd.f32 v42, v0  }
0xa0: {  	v45 =	vld [tilespmem:s14+$0x4200]  }
0xa1: {  	v0 =	vadd.f32 v43, v0  }
0xa2: {  	v46 =	vld [tilespmem:s14+$0x4400]  }
0xa3: {  	v0 =	vadd.f32 v44, v0  }
0xa4: {  	v47 =	vld [tilespmem:s14+$0x4600]  }
0xa5: {  	v0 =	vadd.f32 v45, v0  }
0xa6: {  	v48 =	vld [tilespmem:s14+$0x4800]  }
0xa7: {  	v0 =	vadd.f32 v46, v0  }
0xa8: {  	v49 =	vld [tilespmem:s14+$0x4A00]  }
0xa9: {  	v0 =	vadd.f32 v47, v0  }
0xaa: {  	v50 =	vld [tilespmem:s14+$0x4C00]  }
0xab: {  	v0 =	vadd.f32 v48, v0  }
0xac: {  	v51 =	vld [tilespmem:s14+$0x4E00]  }
0xad: {  	v0 =	vadd.f32 v49, v0  }
0xae: {  	v52 =	vld [tilespmem:s14+$0x5000]  }
0xaf: {  	v0 =	vadd.f32 v50, v0  }
0xb0: {  	v53 =	vld [tilespmem:s14+$0x5200]  }
0xb1: {  	v0 =	vadd.f32 v51, v0  }
0xb2: {  	v54 =	vld [tilespmem:s14+$0x5400]  }
0xb3: {  	v0 =	vadd.f32 v52, v0  }
0xb4: {  	v55 =	vld [tilespmem:s14+$0x5600]  }
0xb5: {  	v0 =	vadd.f32 v53, v0  }
0xb6: {  	v56 =	vld [tilespmem:s14+$0x5800]  }
0xb7: {  	v0 =	vadd.f32 v54, v0  }
0xb8: {  	v57 =	vld [tilespmem:s14+$0x5A00]  }
0xb9: {  	v0 =	vadd.f32 v55, v0  }
0xba: {  	v58 =	vld [tilespmem:s14+$0x5C00]  }
0xbb: {  	v0 =	vadd.f32 v56, v0  }
0xbc: {  	v59 =	vld [tilespmem:s14+$0x5E00]  }
0xbd: {  	v0 =	vadd.f32 v57, v0  }
0xbe: {  	v60 =	vld [tilespmem:s14+$0x6000]  }
0xbf: {  	v0 =	vadd.f32 v58, v0  }
0xc0: {  	v61 =	vld [tilespmem:s14+$0x6200]  }
0xc1: {  	v0 =	vadd.f32 v59, v0  }
0xc2: {  	v62 =	vld [tilespmem:s14+$0x6400]  }
0xc3: {  	v0 =	vadd.f32 v60, v0  }
0xc4: {  	v63 =	vld [tilespmem:s14+$0x6600]  }
0xc5: {  	v0 =	vadd.f32 v61, v0;
	_ =	sdelay $0x1  }
0xc6: {  	v0 =	vadd.f32 v62, v0;
	_ =	sdelay $0x1  }
0xc7: {  	v0 =	vadd.f32 v63, v0;
	_ =	sdelay $0x1  }
0xc8: {  	v0 =	vsub.f32 $0.0e+00, v0;
	_ =	sdelay $0x1  }
0xc9: {  	v0 =	vmul.f32 $1.442695020e+00, v0;
	_ =	sdelay $0x1  }
0xca: {  	(erf) = vpow2.f32 v0;
	_ =	sdelay $0x8  }
0xcb: {  	v0 =	vpop (erf)  }
0xcc: {  	v0 =	vadd.f32 $1.000000000e+00, v0;
	_ =	sdelay $0x1  }
0xcd: {  	(erf) = vrcp.f32 v0;
	_ =	sdelay $0x7  }
0xce: {  	s12 =	sadd.s32 $0x1, s12  }
0xcf: {  	s13 =	sadd.s32 $0x10, s13;
	p0 =	sne.s32 s12, s7;
	v0 =	vpop (erf)  }
.Ltmp1:
0xd0: {  	[tilespmem:s13+$0x0] =	vst v0;
	(pc) =	sbr.rel @p0 .LBB2_1-.Ltmp1, $4  }
0xd1: {  	[hbm4b:s6+s2] =	stream.linear.scatter [tilespmem:s11], [sflag:$0x2], $0x200, $0x38;
	[tilespmem:$0x6A80] =	vst v63  }
0xd2: {  	_ =	swait.ge [sflag:s8], $0x200  }
0xd3: {  	[sflag:s8] =	ssyncset.done $0x0  }
0xd4: {  	[sflag:s8] =	ssyncadd.s32 $0xFFFFFE00  }
0xd5: {  	_ =	sfence.sel $0x180000  }
0xd6: {  	[bflag:$0x0] =	sbarrier.arrive $0xFFFF  }
0xd7: {  	p0 =	sne.s32 s0, $0x0;
	_ =	strace $0x90000047  }
0xd8: {  	s0 =	sadd.s32 @!p0 $0x100000, s1;
	[bflag:$0x2] =	sbarrier.arrive $0xFFFF  }
0xd9: {  	[sflag:s0] =	ssyncadd.tile.s32 @!p0 $0x1;
	_ =	shalt  }
.Lfunc_end2:
_tile_overlayer_lowered:
.L_overlay_start_2:
0xda: {  	(tag) =	ssettag $0x2  }
0xdb: {  	s0 =	rddreg [dreg:$0x0];
	s2 =	stileid.u32  }
0xdc: {  	s1 =	rddreg [dreg:$0x1];
	p0 =	sne.s32 s2, $0x0  }
0xdd: {  	s3 =	rddreg [dreg:$0x2];
	[bflag:$0x3] =	sbarrier.arrive $0xFFFF;
	s2 =	simm.s32 @!p0 $0x1C02  }
0xde: {  	[timem:s3], [sflag:s2] =	dma.local @!p0 [hbm:s0], s1  }
0xdf: {  	s0 =	simm.s32 @!p0 $0x2  }
0xe0: {  	_ =	swait.ge @!p0 [sflag:s0], s1  }
0xe1: {  	s1 =	ssub.s32 @!p0 $0x0, s1;
	[sflag:s0] =	ssyncset.done @!p0 $0x0  }
0xe2: {  	[sflag:s0] =	ssyncadd.s32 @!p0 s1  }
0xe3: {  	[bflag:$0x3] =	sbarrier.arrive $0xFFFF  }
0xe4: {  	_ =	shalt  }

</sc_bundles>
